<compile_context>
chip_gen: v7x
topology: tpu7x:2x2x1
jax: 0.10.2.dev20260603
libtpu: 0.0.44.dev20260713+nightly
codegen_flags: <defaults>
</compile_context>

<pallas_src>
import functools

import jax
import jax.numpy as jnp
from jax import lax
from jax.experimental import pallas as pl
from jax.experimental.pallas import tpu as pltpu
from jax.experimental.pallas import tpu_sc as plsc

_N_HEAD = 2
_D_K = 64
_BR = 512


def _pos_body(qt_hbm, pos_hbm, qt_v, pos_v, tmp_v):
    cid = lax.axis_index("c")
    sid = lax.axis_index("s")
    mask_num = qt_v.shape[0]
    concept_num = pos_v.shape[0]

    @pl.when((cid == 0) & (sid == 0))
    def _():
        pltpu.sync_copy(qt_hbm, qt_v)
        lane = lax.iota(jnp.int32, 16)
        neg1 = jnp.full((16,), -1, jnp.int32)

        def init_blk(i, _):
            pos_v[pl.ds(i * 16, 16)] = neg1
            return ()

        lax.fori_loop(0, concept_num // 16, init_blk, ())

        nchunk = mask_num // 16

        def chunk(c, _):
            q = qt_v[pl.ds(c * 16, 16)]
            plsc.store_scatter(pos_v, [q], c * 16 + lane)
            return ()

        lax.fori_loop(0, nchunk, chunk, ())

        def fix_pass(_):
            def fix(c, acc):
                q = qt_v[pl.ds(c * 16, 16)]
                vals = c * 16 + lane
                g = plsc.load_gather(pos_v, [q])
                m = vals > g
                plsc.store_scatter(pos_v, [q], vals, mask=m)
                return acc + plsc.all_reduce_population_count(m)

            tot = lax.fori_loop(0, nchunk, fix,
                                jnp.zeros((16,), jnp.int32))
            return jnp.max(tot)

        lax.while_loop(lambda ch: ch > 0, fix_pass, jnp.int32(1))
        pltpu.sync_copy(pos_v, pos_hbm)


def _sc_pos(qt, concept_num):
    mask_num = qt.shape[0]
    mesh = plsc.VectorSubcoreMesh(core_axis_name="c", subcore_axis_name="s")
    kern = pl.kernel(
        _pos_body,
        out_type=jax.ShapeDtypeStruct((concept_num,), jnp.int32),
        mesh=mesh,
        scratch_types=[
            pltpu.VMEM((mask_num,), jnp.int32),
            pltpu.VMEM((concept_num,), jnp.int32),
            pltpu.VMEM((16,), jnp.int32),
        ],
        compiler_params=pltpu.CompilerParams(needs_layout_passes=False),
    )
    return kern(qt)


def _tc_body(pos_ref, q_ref, k_ref, wq_ref, wk_ref, out_ref, qcat_s, kh_s,
             ii_s):
    b = pl.program_id(0)
    mask_num = q_ref.shape[0]

    @pl.when(b == 0)
    def _init():
        qcat_s[...] = jnp.dot(q_ref[...], wq_ref[...],
                              preferred_element_type=jnp.float32)
        kcat = jnp.dot(k_ref[...], wk_ref[...],
                       preferred_element_type=jnp.float32)
        for h in range(_N_HEAD):
            kh_s[h] = kcat[:, h * _D_K:(h + 1) * _D_K]
        ii_s[...] = lax.broadcasted_iota(jnp.int32, (_BR, mask_num), 1)

    posb = pos_ref[...]
    valid = posb >= 0
    onehot = (ii_s[...] == posb).astype(jnp.float32)
    qrows = jnp.dot(onehot, qcat_s[...],
                    preferred_element_type=jnp.float32)

    for h in range(_N_HEAD):
        attn = lax.dot_general(qrows[:, h * _D_K:(h + 1) * _D_K], kh_s[h],
                               (((1,), (1,)), ((), ())),
                               preferred_element_type=jnp.float32)
        e = jnp.exp(attn)
        s = jnp.sum(e, axis=1, keepdims=True)
        inv = jnp.where(valid, 1.0 / s, 0.0)
        out_ref[h, :, :] = e * inv


@jax.jit
def kernel(qt, query, key, W_q, W_k):
    mask_num = qt.shape[0]
    concept_num = key.shape[0]
    input_dim = query.shape[1]
    qt32 = qt.astype(jnp.int32)
    pos2d = _sc_pos(qt32, concept_num).reshape(concept_num, 1)
    wq = W_q * (1.0 / (_D_K ** 0.5))
    nblk = concept_num // _BR

    return pl.pallas_call(
        _tc_body,
        grid=(nblk,),
        in_specs=[
            pl.BlockSpec((_BR, 1), lambda b: (b, 0)),
            pl.BlockSpec((mask_num, input_dim), lambda b: (0, 0)),
            pl.BlockSpec((concept_num, input_dim), lambda b: (0, 0)),
            pl.BlockSpec((input_dim, _N_HEAD * _D_K), lambda b: (0, 0)),
            pl.BlockSpec((input_dim, _N_HEAD * _D_K), lambda b: (0, 0)),
        ],
        out_specs=pl.BlockSpec((_N_HEAD, _BR, concept_num),
                               lambda b: (0, b, 0)),
        out_shape=jax.ShapeDtypeStruct((_N_HEAD, concept_num, concept_num),
                                       jnp.float32),
        scratch_shapes=[
            pltpu.VMEM((mask_num, _N_HEAD * _D_K), jnp.float32),
            pltpu.VMEM((_N_HEAD, concept_num, _D_K), jnp.float32),
            pltpu.VMEM((_BR, mask_num), jnp.int32),
        ],
        compiler_params=pltpu.CompilerParams(
            vmem_limit_bytes=120 * 1024 * 1024),
    )(pos2d, query, key, wq, W_k)

# --- scband reference (transcript-rebuilt; emitter-appended) ---
"""Pipeline reference for scband-multi-head-attention-45380624449645 (READ-ONLY COPY).

The authoritative reference and input builder live on the scoring server;
editing this copy changes nothing except your own understanding.
"""

import jax, jax.numpy as jnp
import numpy as np

N_HEAD = 2
CONCEPT_NUM = 4096
INPUT_DIM = 256
D_K = 64
MASK_NUM = 2048


def setup_inputs(seed: int = 0) -> dict:
    key = jax.random.key(seed)
    k1, k2, k3, k4, k5 = jax.random.split(key, 5)
    qt = jax.random.randint(k1, (MASK_NUM,), 0, CONCEPT_NUM, dtype=jnp.int64) if jax.config.jax_enable_x64 else jax.random.randint(k1, (MASK_NUM,), 0, CONCEPT_NUM).astype(jnp.int32)
    query = jax.random.normal(k2, (MASK_NUM, INPUT_DIM), dtype=jnp.float32)
    key_emb = jax.random.normal(k3, (CONCEPT_NUM, INPUT_DIM), dtype=jnp.float32)
    # nn.Linear(input_dim, n_head*d_k, bias=False) weights, stored as [in, out] for x @ W
    W_q = jax.random.normal(k4, (INPUT_DIM, N_HEAD * D_K), dtype=jnp.float32) * 0.05
    W_k = jax.random.normal(k5, (INPUT_DIM, N_HEAD * D_K), dtype=jnp.float32) * 0.05
    return {"qt": qt, "query": query, "key": key_emb, "W_q": W_q, "W_k": W_k}


def reference(qt, query, key, W_q, W_k):
    len_q = query.shape[0]
    len_k = key.shape[0]
    # q = self.w_qs(query).view(len_q, n_head, d_k).transpose(0, 1)
    q = (query @ W_q).reshape(len_q, N_HEAD, D_K).transpose(1, 0, 2)  # [n_head, mask_num, d_k]
    k = (key @ W_k).reshape(len_k, N_HEAD, D_K).transpose(1, 0, 2)    # [n_head, concept_num, d_k]
    # ScaledDotProductAttention: softmax(q k^T / sqrt(d_k)) (dropout=0, mask=None)
    temperature = D_K ** 0.5
    attn = jnp.einsum('hqd,hkd->hqk', q, k) / temperature  # [n_head, mask_num, concept_num]
    attn_score = jax.nn.softmax(attn, axis=2)
    # _get_graph: graphs[k] = zeros.index_put((qt,), attn_score[k]) per head (scatter-overwrite)
    qt = qt.astype(jnp.int32)
    graphs = jnp.zeros((N_HEAD, CONCEPT_NUM, CONCEPT_NUM), dtype=jnp.float32)
    graphs = graphs.at[:, qt, :].set(attn_score)
    return graphs


if False:  # reference __main__ guard neutralized (emitter)
    out = reference(**setup_inputs())
    print(out.shape, out.dtype)

if __name__ == "__main__":
    import jax
    _d = setup_inputs()
    print(jax.jit(kernel)(*tuple(_d.values())))

</pallas_src>

<mosaic_0001>
#map = affine_map<(d0, d1) -> (0)>
module attributes {stable_mosaic.version = 14 : i64} {
  func.func @_pos_body(%arg0: i32, %arg1: i32, %arg2: memref<2048xi32, #tpu.memory_space<hbm>>, %arg3: memref<4096xi32, #tpu.memory_space<hbm>>, %arg4: memref<2048xi32, #tpu.memory_space<vmem>>, %arg5: memref<4096xi32, #tpu.memory_space<vmem>>, %arg6: memref<16xi32, #tpu.memory_space<vmem>>) attributes {dimension_semantics = [#tpu.dimension_semantics<core_parallel>, #tpu.dimension_semantics<subcore_parallel>], iteration_bounds = array<i64: 2, 16>, scalar_prefetch = 0 : i64, scratch_operands = 3 : i64, tpu.core_type = #tpu.core_type<sc_vector_subcore>, window_params = [{transform_indices = #map}, {transform_indices = #map}]} {
    %eq3A = arith.constant 0 : i32
    %eq3A_0 = arith.cmpi eq, %arg0, %eq3A : i32
    %eq3A_1 = arith.constant 0 : i32
    %eq3A_2 = arith.cmpi eq, %arg1, %eq3A_1 : i32
    %and3A = arith.andi %eq3A_0, %eq3A_2 : i1
    %convert_element_type3A = arith.extui %and3A : i1 to i32
    %cond3A = arith.constant 0 : i32
    %cond3A_3 = arith.cmpi ne, %convert_element_type3A, %cond3A : i32
    scf.if %cond3A_3 {
      "tpu.region"() ({
        %run_scoped3A = tpu.sem_alloc : memref<!tpu.dma_semaphore, #tpu.memory_space<semaphore_mem>>
        tpu.enqueue_dma source(%arg2 : memref<2048xi32, #tpu.memory_space<hbm>>) target(%arg4 : memref<2048xi32, #tpu.memory_space<vmem>>) target_semaphore(%run_scoped3A : memref<!tpu.dma_semaphore, #tpu.memory_space<semaphore_mem>>)
        tpu.wait_dma2 semaphore(%run_scoped3A : memref<!tpu.dma_semaphore, #tpu.memory_space<semaphore_mem>>) src(%arg2 : memref<2048xi32, #tpu.memory_space<hbm>>) dst(%arg4 : memref<2048xi32, #tpu.memory_space<vmem>>)
        tpu.yield
      }) : () -> ()
      %iota3A = tpu.iota {dimensions = array<i32: 0>} : vector<16xi32>
      %broadcast_in_dim3A = arith.constant -1 : i32
      %broadcast_in_dim3A_4 = vector.broadcast %broadcast_in_dim3A : i32 to vector<16xi32>
      %scan3A = arith.constant 0 : i32
      %scan3A_5 = arith.constant 256 : i32
      %scan3A_6 = arith.addi %scan3A, %scan3A_5 : i32
      %scan3A_7 = arith.constant 1 : i32
      scf.for %scan3A_15 = %scan3A to %scan3A_6 step %scan3A_7  : i32 {
        %mul3A = arith.constant 16 : i32
        %mul3A_16 = arith.muli %scan3A_15, %mul3A : i32
        %swap3A = arith.index_cast %mul3A_16 : i32 to index
        %swap3A_17 = tpu.vector_load %arg5[%swap3A] {strides = array<i32>} : memref<4096xi32, #tpu.memory_space<vmem>>, vector<16xi32>,
        tpu.vector_store %arg5[%swap3A], %broadcast_in_dim3A_4 {strides = array<i32>} : memref<4096xi32, #tpu.memory_space<vmem>>, vector<16xi32>,
      }
      %scan3A_8 = arith.constant 256 : i32
      %scan3A_9 = arith.constant 0 : i32
      %scan3A_10 = arith.constant 128 : i32
      %scan3A_11 = arith.addi %scan3A_9, %scan3A_10 : i32
      %scan3A_12 = arith.constant 1 : i32
      scf.for %scan3A_15 = %scan3A_9 to %scan3A_11 step %scan3A_12  : i32 {
        %mul3A = arith.constant 16 : i32
        %mul3A_16 = arith.muli %scan3A_15, %mul3A : i32
        %get3A = arith.index_cast %mul3A_16 : i32 to index
        %get3A_17 = tpu.vector_load %arg4[%get3A] {strides = array<i32>} : memref<2048xi32, #tpu.memory_space<vmem>>, vector<16xi32>,
        %mul3A_18 = arith.constant 16 : i32
        %mul3A_19 = arith.muli %scan3A_15, %mul3A_18 : i32
        %add3A = vector.broadcast %mul3A_19 : i32 to vector<16xi32>
        %add3A_20 = arith.addi %add3A, %iota3A : vector<16xi32>
        tpu.vector_store_idx %arg5[%get3A_17], %add3A_20 : memref<4096xi32, #tpu.memory_space<vmem>>[vector<16xi32>], vector<16xi32>,
      }
      %scan3A_13 = arith.constant 128 : i32
      %while3A = arith.constant 1 : i32
      %while3A_14 = scf.while (%while3A_15 = %while3A) : (i32) -> i32 {
        %gt3A = arith.constant 0 : i32
        %gt3A_16 = arith.cmpi sgt, %while3A_15, %gt3A : i32
        scf.condition(%gt3A_16) %while3A_15 : i32
      } do {
      ^bb0(%while3A_15: i32):
        %broadcast_in_dim3A_16 = arith.constant 0 : i32
        %broadcast_in_dim3A_17 = vector.broadcast %broadcast_in_dim3A_16 : i32 to vector<16xi32>
        %scan3A_18 = arith.constant 0 : i32
        %scan3A_19 = arith.constant 128 : i32
        %scan3A_20 = arith.addi %scan3A_18, %scan3A_19 : i32
        %scan3A_21 = arith.constant 1 : i32
        %scan3A_22 = scf.for %scan3A_31 = %scan3A_18 to %scan3A_20 step %scan3A_21 iter_args(%scan3A_32 = %broadcast_in_dim3A_17) -> (vector<16xi32>)  : i32 {
          %mul3A = arith.constant 16 : i32
          %mul3A_33 = arith.muli %scan3A_31, %mul3A : i32
          %get3A = arith.index_cast %mul3A_33 : i32 to index
          %get3A_34 = tpu.vector_load %arg4[%get3A] {strides = array<i32>} : memref<2048xi32, #tpu.memory_space<vmem>>, vector<16xi32>,
          %mul3A_35 = arith.constant 16 : i32
          %mul3A_36 = arith.muli %scan3A_31, %mul3A_35 : i32
          %add3A = vector.broadcast %mul3A_36 : i32 to vector<16xi32>
          %add3A_37 = arith.addi %add3A, %iota3A : vector<16xi32>
          %gather3A = tpu.vector_load_idx %arg5[%get3A_34] : memref<4096xi32, #tpu.memory_space<vmem>>[vector<16xi32>], vector<16xi32>,
          %gt3A = arith.cmpi sgt, %add3A_37, %gather3A : vector<16xi32>
          tpu.vector_store_idx %arg5[%get3A_34], %add3A_37 masked %gt3A : memref<4096xi32, #tpu.memory_space<vmem>>[vector<16xi32>], vector<16xi32>, vector<16xi1>
          %all_reduce_population_count3A = tpu.all_reduce %gt3A {dim = 0 : i64, kind = #tpu.reduction_kind<sum>} : vector<16xi1> -> vector<16xi32>
          %add3A_38 = arith.addi %scan3A_32, %all_reduce_population_count3A : vector<16xi32>
          scf.yield %add3A_38 : vector<16xi32>
        }
        %scan3A_23 = arith.constant 128 : i32
        %reduce_max3A = arith.constant true
        %reduce_max3A_24 = vector.broadcast %reduce_max3A : i1 to vector<16xi1>
        %reduce_max3A_25 = arith.constant -2147483648 : i32
        %reduce_max3A_26 = vector.broadcast %reduce_max3A_25 : i32 to vector<16xi32>
        %reduce_max3A_27 = arith.xori %scan3A_22, %reduce_max3A_26 : vector<16xi32>
        %reduce_max3A_28 = tpu.scan <max>, %reduce_max3A_27 masked %reduce_max3A_24 : vector<16xi32>, vector<16xi1> -> vector<16xi32>
        %reduce_max3A_29 = arith.xori %reduce_max3A_28, %reduce_max3A_26 : vector<16xi32>
        %reduce_max3A_30 = vector.extract %reduce_max3A_29[15] : i32 from vector<16xi32>
        scf.yield %reduce_max3A_30 : i32
      }
      "tpu.region"() ({
        %run_scoped3A = tpu.sem_alloc : memref<!tpu.dma_semaphore, #tpu.memory_space<semaphore_mem>>
        tpu.enqueue_dma source(%arg5 : memref<4096xi32, #tpu.memory_space<vmem>>) target(%arg3 : memref<4096xi32, #tpu.memory_space<hbm>>) target_semaphore(%run_scoped3A : memref<!tpu.dma_semaphore, #tpu.memory_space<semaphore_mem>>)
        tpu.wait_dma2 semaphore(%run_scoped3A : memref<!tpu.dma_semaphore, #tpu.memory_space<semaphore_mem>>) src(%arg5 : memref<4096xi32, #tpu.memory_space<vmem>>) dst(%arg3 : memref<4096xi32, #tpu.memory_space<hbm>>)
        tpu.yield
      }) : () -> ()
    } else {
    }
    return
  }
}

module attributes {stable_mosaic.version = 14 : i64} {
  func.func @_tc_body(%arg0: i32, %arg1: memref<512x1xi32, #tpu.memory_space<vmem>>, %arg2: memref<2048x256xf32, #tpu.memory_space<vmem>>, %arg3: memref<4096x256xf32, #tpu.memory_space<vmem>>, %arg4: memref<256x128xf32, #tpu.memory_space<vmem>>, %arg5: memref<256x128xf32, #tpu.memory_space<vmem>>, %arg6: memref<2x512x4096xf32, #tpu.memory_space<vmem>>, %arg7: memref<2048x128xf32, #tpu.memory_space<vmem>>, %arg8: memref<2x4096x64xf32, #tpu.memory_space<vmem>>, %arg9: memref<512x2048xi32, #tpu.memory_space<vmem>>) attributes {dimension_semantics = [#tpu.dimension_semantics<arbitrary>], iteration_bounds = array<i64: 8>, scalar_prefetch = 0 : i64, scratch_operands = 3 : i64, tpu.core_type = #tpu.core_type<tc>, window_params = [{transform_indices = @transform_0, window_bounds = array<i64: 512, 1>}, {pipeline_mode = #tpu.pipeline_mode<synchronous>, transform_indices = @transform_1, window_bounds = array<i64: 2048, 256>}, {pipeline_mode = #tpu.pipeline_mode<synchronous>, transform_indices = @transform_2, window_bounds = array<i64: 4096, 256>}, {pipeline_mode = #tpu.pipeline_mode<synchronous>, transform_indices = @transform_3, window_bounds = array<i64: 256, 128>}, {pipeline_mode = #tpu.pipeline_mode<synchronous>, transform_indices = @transform_4, window_bounds = array<i64: 256, 128>}, {transform_indices = @transform_5, window_bounds = array<i64: 2, 512, 4096>}]} {
    %eq3A = arith.constant 0 : i32
    %eq3A_0 = arith.cmpi eq, %arg0, %eq3A : i32
    %convert_element_type3A = arith.extui %eq3A_0 : i1 to i32
    %cond3A = arith.constant 0 : i32
    %cond3A_1 = arith.cmpi ne, %convert_element_type3A, %cond3A : i32
    scf.if %cond3A_1 {
      %get3A_60 = arith.constant 0 : index
      %get3A_61 = arith.constant 0 : index
      %get3A_62 = vector.load %arg2[%get3A_60, %get3A_61] : memref<2048x256xf32, #tpu.memory_space<vmem>>, vector<2048x256xf32>
      %get3A_63 = arith.constant 0 : index
      %get3A_64 = arith.constant 0 : index
      %get3A_65 = vector.load %arg4[%get3A_63, %get3A_64] : memref<256x128xf32, #tpu.memory_space<vmem>>, vector<256x128xf32>
      %dot_general3A_66 = arith.constant dense<0.000000e+00> : vector<2048x128xf32>
      %dot_general3A_67 = tpu.matmul %get3A_62, %get3A_65, %dot_general3A_66 {dimension_numbers = #tpu.dot_dimension_numbers<[1], [0], [0], [1], [0, 0, 1, 1], [], []>, transpose_lhs_hint = false} : vector<2048x256xf32>, vector<256x128xf32>, vector<2048x128xf32> -> vector<2048x128xf32>
      %swap3A_68 = arith.constant 0 : index
      %swap3A_69 = arith.constant 0 : index
      %swap3A_70 = vector.load %arg7[%swap3A_68, %swap3A_69] : memref<2048x128xf32, #tpu.memory_space<vmem>>, vector<2048x128xf32>
      tpu.vector_store %arg7[%swap3A_68, %swap3A_69], %dot_general3A_67 {strides = array<i32>} : memref<2048x128xf32, #tpu.memory_space<vmem>>, vector<2048x128xf32>,
      %get3A_71 = arith.constant 0 : index
      %get3A_72 = arith.constant 0 : index
      %get3A_73 = vector.load %arg3[%get3A_71, %get3A_72] : memref<4096x256xf32, #tpu.memory_space<vmem>>, vector<4096x256xf32>
      %get3A_74 = arith.constant 0 : index
      %get3A_75 = arith.constant 0 : index
      %get3A_76 = vector.load %arg5[%get3A_74, %get3A_75] : memref<256x128xf32, #tpu.memory_space<vmem>>, vector<256x128xf32>
      %dot_general3A_77 = arith.constant dense<0.000000e+00> : vector<4096x128xf32>
      %dot_general3A_78 = tpu.matmul %get3A_73, %get3A_76, %dot_general3A_77 {dimension_numbers = #tpu.dot_dimension_numbers<[1], [0], [0], [1], [0, 0, 1, 1], [], []>, transpose_lhs_hint = false} : vector<4096x256xf32>, vector<256x128xf32>, vector<4096x128xf32> -> vector<4096x128xf32>
      %slice3A_79 = vector.extract_strided_slice %dot_general3A_78 {offsets = [0, 0], sizes = [4096, 64], strides = [1, 1]} : vector<4096x128xf32> to vector<4096x64xf32>
      %swap3A_80 = arith.constant 0 : index
      %swap3A_81 = arith.constant 0 : index
      %swap3A_82 = arith.constant 0 : index
      %swap3A_83 = vector.load %arg8[%swap3A_80, %swap3A_81, %swap3A_82] : memref<2x4096x64xf32, #tpu.memory_space<vmem>>, vector<1x4096x64xf32>
      %swap3A_84 = vector.shape_cast %swap3A_83 : vector<1x4096x64xf32> to vector<4096x64xf32>
      %swap3A_85 = vector.shape_cast %slice3A_79 : vector<4096x64xf32> to vector<1x4096x64xf32>
      tpu.vector_store %arg8[%swap3A_80, %swap3A_81, %swap3A_82], %swap3A_85 {strides = array<i32>} : memref<2x4096x64xf32, #tpu.memory_space<vmem>>, vector<1x4096x64xf32>,
      %slice3A_86 = vector.extract_strided_slice %dot_general3A_78 {offsets = [0, 64], sizes = [4096, 64], strides = [1, 1]} : vector<4096x128xf32> to vector<4096x64xf32>
      %swap3A_87 = arith.constant 1 : index
      %swap3A_88 = arith.constant 0 : index
      %swap3A_89 = arith.constant 0 : index
      %swap3A_90 = vector.load %arg8[%swap3A_87, %swap3A_88, %swap3A_89] : memref<2x4096x64xf32, #tpu.memory_space<vmem>>, vector<1x4096x64xf32>
      %swap3A_91 = vector.shape_cast %swap3A_90 : vector<1x4096x64xf32> to vector<4096x64xf32>
      %swap3A_92 = vector.shape_cast %slice3A_86 : vector<4096x64xf32> to vector<1x4096x64xf32>
      tpu.vector_store %arg8[%swap3A_87, %swap3A_88, %swap3A_89], %swap3A_92 {strides = array<i32>} : memref<2x4096x64xf32, #tpu.memory_space<vmem>>, vector<1x4096x64xf32>,
      %iota3A = tpu.iota {dimensions = array<i32: 1>} : vector<512x2048xi32>
      %swap3A_93 = arith.constant 0 : index
      %swap3A_94 = arith.constant 0 : index
      %swap3A_95 = vector.load %arg9[%swap3A_93, %swap3A_94] : memref<512x2048xi32, #tpu.memory_space<vmem>>, vector<512x2048xi32>
      tpu.vector_store %arg9[%swap3A_93, %swap3A_94], %iota3A {strides = array<i32>} : memref<512x2048xi32, #tpu.memory_space<vmem>>, vector<512x2048xi32>,
    } else {
    }
    %get3A = arith.constant 0 : index
    %get3A_2 = arith.constant 0 : index
    %get3A_3 = vector.load %arg1[%get3A, %get3A_2] : memref<512x1xi32, #tpu.memory_space<vmem>>, vector<512x1xi32>
    %ge3A = arith.constant 0 : i32
    %ge3A_4 = vector.broadcast %ge3A : i32 to vector<512x1xi32>
    %ge3A_5 = arith.cmpi sge, %get3A_3, %ge3A_4 : vector<512x1xi32>
    %get3A_6 = arith.constant 0 : index
    %get3A_7 = arith.constant 0 : index
    %get3A_8 = vector.load %arg9[%get3A_6, %get3A_7] : memref<512x2048xi32, #tpu.memory_space<vmem>>, vector<512x2048xi32>
    %eq3A_9 = vector.broadcast %get3A_3 : vector<512x1xi32> to vector<512x2048xi32>
    %eq3A_10 = arith.cmpi eq, %get3A_8, %eq3A_9 : vector<512x2048xi32>
    %convert_element_type3A_11 = arith.extui %eq3A_10 : vector<512x2048xi1> to vector<512x2048xi32>
    %convert_element_type3A_12 = arith.sitofp %convert_element_type3A_11 : vector<512x2048xi32> to vector<512x2048xf32>
    %get3A_13 = arith.constant 0 : index
    %get3A_14 = arith.constant 0 : index
    %get3A_15 = vector.load %arg7[%get3A_13, %get3A_14] : memref<2048x128xf32, #tpu.memory_space<vmem>>, vector<2048x128xf32>
    %dot_general3A = arith.constant dense<0.000000e+00> : vector<512x128xf32>
    %dot_general3A_16 = tpu.matmul %convert_element_type3A_12, %get3A_15, %dot_general3A {dimension_numbers = #tpu.dot_dimension_numbers<[1], [0], [0], [1], [0, 0, 1, 1], [], []>, transpose_lhs_hint = false} : vector<512x2048xf32>, vector<2048x128xf32>, vector<512x128xf32> -> vector<512x128xf32>
    %slice3A = vector.extract_strided_slice %dot_general3A_16 {offsets = [0, 0], sizes = [512, 64], strides = [1, 1]} : vector<512x128xf32> to vector<512x64xf32>
    %get3A_17 = arith.constant 0 : index
    %get3A_18 = arith.constant 0 : index
    %get3A_19 = arith.constant 0 : index
    %get3A_20 = vector.load %arg8[%get3A_17, %get3A_18, %get3A_19] : memref<2x4096x64xf32, #tpu.memory_space<vmem>>, vector<1x4096x64xf32>
    %get3A_21 = vector.shape_cast %get3A_20 : vector<1x4096x64xf32> to vector<4096x64xf32>
    %dot_general3A_22 = arith.constant dense<0.000000e+00> : vector<512x4096xf32>
    %dot_general3A_23 = tpu.matmul %slice3A, %get3A_21, %dot_general3A_22 {dimension_numbers = #tpu.dot_dimension_numbers<[1], [1], [0], [0], [0, 0, 1, 0], [], []>, transpose_lhs_hint = false} : vector<512x64xf32>, vector<4096x64xf32>, vector<512x4096xf32> -> vector<512x4096xf32>
    %exp3A = math.exp %dot_general3A_23 : vector<512x4096xf32>
    %reduce_sum3A = arith.constant dense<0.000000e+00> : vector<512xf32>
    %reduce_sum3A_24 = vector.multi_reduction <add>, %exp3A, %reduce_sum3A [1] : vector<512x4096xf32> to vector<512xf32>
    %broadcast_in_dim3A = vector.shape_cast %reduce_sum3A_24 : vector<512xf32> to vector<512x1xf32>
    %div3A = arith.constant 1.000000e+00 : f32
    %div3A_25 = vector.broadcast %div3A : f32 to vector<512x1xf32>
    %div3A_26 = arith.divf %div3A_25, %broadcast_in_dim3A : vector<512x1xf32>
    %jit3A = arith.constant 0.000000e+00 : f32
    %broadcast_in_dim3A_27 = vector.broadcast %jit3A : f32 to vector<512x1xf32>
    %select_n3A = arith.select %ge3A_5, %div3A_26, %broadcast_in_dim3A_27 : vector<512x1xi1>, vector<512x1xf32>
    %mul3A = vector.broadcast %select_n3A : vector<512x1xf32> to vector<512x4096xf32>
    %mul3A_28 = arith.mulf %exp3A, %mul3A : vector<512x4096xf32>
    %swap3A = arith.constant 0 : index
    %swap3A_29 = arith.constant 0 : index
    %swap3A_30 = arith.constant 0 : index
    %swap3A_31 = vector.load %arg6[%swap3A, %swap3A_29, %swap3A_30] : memref<2x512x4096xf32, #tpu.memory_space<vmem>>, vector<1x512x4096xf32>
    %swap3A_32 = vector.shape_cast %swap3A_31 : vector<1x512x4096xf32> to vector<512x4096xf32>
    %swap3A_33 = vector.shape_cast %mul3A_28 : vector<512x4096xf32> to vector<1x512x4096xf32>
    tpu.vector_store %arg6[%swap3A, %swap3A_29, %swap3A_30], %swap3A_33 {strides = array<i32>} : memref<2x512x4096xf32, #tpu.memory_space<vmem>>, vector<1x512x4096xf32>,
    %slice3A_34 = vector.extract_strided_slice %dot_general3A_16 {offsets = [0, 64], sizes = [512, 64], strides = [1, 1]} : vector<512x128xf32> to vector<512x64xf32>
    %get3A_35 = arith.constant 1 : index
    %get3A_36 = arith.constant 0 : index
    %get3A_37 = arith.constant 0 : index
    %get3A_38 = vector.load %arg8[%get3A_35, %get3A_36, %get3A_37] : memref<2x4096x64xf32, #tpu.memory_space<vmem>>, vector<1x4096x64xf32>
    %get3A_39 = vector.shape_cast %get3A_38 : vector<1x4096x64xf32> to vector<4096x64xf32>
    %dot_general3A_40 = arith.constant dense<0.000000e+00> : vector<512x4096xf32>
    %dot_general3A_41 = tpu.matmul %slice3A_34, %get3A_39, %dot_general3A_40 {dimension_numbers = #tpu.dot_dimension_numbers<[1], [1], [0], [0], [0, 0, 1, 0], [], []>, transpose_lhs_hint = false} : vector<512x64xf32>, vector<4096x64xf32>, vector<512x4096xf32> -> vector<512x4096xf32>
    %exp3A_42 = math.exp %dot_general3A_41 : vector<512x4096xf32>
    %reduce_sum3A_43 = arith.constant dense<0.000000e+00> : vector<512xf32>
    %reduce_sum3A_44 = vector.multi_reduction <add>, %exp3A_42, %reduce_sum3A_43 [1] : vector<512x4096xf32> to vector<512xf32>
    %broadcast_in_dim3A_45 = vector.shape_cast %reduce_sum3A_44 : vector<512xf32> to vector<512x1xf32>
    %div3A_46 = arith.constant 1.000000e+00 : f32
    %div3A_47 = vector.broadcast %div3A_46 : f32 to vector<512x1xf32>
    %div3A_48 = arith.divf %div3A_47, %broadcast_in_dim3A_45 : vector<512x1xf32>
    %jit3A_49 = arith.constant 0.000000e+00 : f32
    %broadcast_in_dim3A_50 = vector.broadcast %jit3A_49 : f32 to vector<512x1xf32>
    %select_n3A_51 = arith.select %ge3A_5, %div3A_48, %broadcast_in_dim3A_50 : vector<512x1xi1>, vector<512x1xf32>
    %mul3A_52 = vector.broadcast %select_n3A_51 : vector<512x1xf32> to vector<512x4096xf32>
    %mul3A_53 = arith.mulf %exp3A_42, %mul3A_52 : vector<512x4096xf32>
    %swap3A_54 = arith.constant 1 : index
    %swap3A_55 = arith.constant 0 : index
    %swap3A_56 = arith.constant 0 : index
    %swap3A_57 = vector.load %arg6[%swap3A_54, %swap3A_55, %swap3A_56] : memref<2x512x4096xf32, #tpu.memory_space<vmem>>, vector<1x512x4096xf32>
    %swap3A_58 = vector.shape_cast %swap3A_57 : vector<1x512x4096xf32> to vector<512x4096xf32>
    %swap3A_59 = vector.shape_cast %mul3A_53 : vector<512x4096xf32> to vector<1x512x4096xf32>
    tpu.vector_store %arg6[%swap3A_54, %swap3A_55, %swap3A_56], %swap3A_59 {strides = array<i32>} : memref<2x512x4096xf32, #tpu.memory_space<vmem>>, vector<1x512x4096xf32>,
    return
  }
  func.func @transform_0(%arg0: i32) -> (i32, i32) {
    %c0_i32 = arith.constant 0 : i32
    %c0_i32_0 = arith.constant 0 : i32
    return %arg0, %c0_i32 : i32, i32
  }
  func.func @transform_1(%arg0: i32) -> (i32, i32) {
    %c0_i32 = arith.constant 0 : i32
    %c0_i32_0 = arith.constant 0 : i32
    %c0_i32_1 = arith.constant 0 : i32
    return %c0_i32, %c0_i32_0 : i32, i32
  }
  func.func @transform_2(%arg0: i32) -> (i32, i32) {
    %c0_i32 = arith.constant 0 : i32
    %c0_i32_0 = arith.constant 0 : i32
    %c0_i32_1 = arith.constant 0 : i32
    return %c0_i32, %c0_i32_0 : i32, i32
  }
  func.func @transform_3(%arg0: i32) -> (i32, i32) {
    %c0_i32 = arith.constant 0 : i32
    %c0_i32_0 = arith.constant 0 : i32
    %c0_i32_1 = arith.constant 0 : i32
    return %c0_i32, %c0_i32_0 : i32, i32
  }
  func.func @transform_4(%arg0: i32) -> (i32, i32) {
    %c0_i32 = arith.constant 0 : i32
    %c0_i32_0 = arith.constant 0 : i32
    %c0_i32_1 = arith.constant 0 : i32
    return %c0_i32, %c0_i32_0 : i32, i32
  }
  func.func @transform_5(%arg0: i32) -> (i32, i32, i32) {
    %c0_i32 = arith.constant 0 : i32
    %c0_i32_0 = arith.constant 0 : i32
    %c0_i32_1 = arith.constant 0 : i32
    return %c0_i32, %arg0, %c0_i32_0 : i32, i32, i32
  }
}

</mosaic_0001>

<sc_bundles>
// kernel: kernel.4.cloned.1.call-start
scs
__scs_entry_jumppad:
0x0: {  	(pc) =	sbr.rel $0x88, $3  }
0x1: {  	(tag) =	ssettag $0x0;
	lr =	simm.s32 $0x1  }
0x2: {  	[smem:$0x3F9C] =	sst lr;
	_ =	strace $0xD0000000  }
0x3: {  	_ = 	snop  }
0x4: {  	_ = 	snop  }
0x5: {  	_ = 	snop  }
0x6: {  	_ = 	snop  }
0x7: {  	_ = 	snop  }
__scs_overlays_trampoline_lowered:
0x8: {  	[smem:$0x3FAB] =	sst s0  }
0x9: {  	[smem:$0x3FAC] =	sst s1  }
0xa: {  	[smem:$0x3FAD] =	sst s2  }
0xb: {  	[smem:$0x3FAE] =	sst s3  }
0xc: {  	[smem:$0x3FAF] =	sst s4  }
0xd: {  	[smem:$0x3FB0] =	sst s5  }
0xe: {  	[smem:$0x3FB1] =	sst s6  }
0xf: {  	[smem:$0x3FB2] =	sst s7  }
0x10: {  	[smem:$0x3FB3] =	sst s8  }
0x11: {  	[smem:$0x3FB4] =	sst s9;
	s0 =	simm.s32 @!p0 $0x0  }
0x12: {  	s1 =	sld [smem:$0x3F9A];
	s0 =	simm.s32 @p0 $0x1  }
0x13: {  	[smem:$0x3FB5] =	sst s0;
	s0 =	simm.s32 @!p1 $0x0  }
0x14: {  	s2 =	sld [smem:$0x3F99];
	s0 =	simm.s32 @p1 $0x1  }
0x15: {  	[smem:$0x3FB6] =	sst s0;
	s0 =	simm.s32 @!p2 $0x0  }
0x16: {  	s3 =	sld [smem:$0x3FDB];
	s0 =	simm.s32 @p2 $0x1  }
0x17: {  	s4 =	simm.s32 $0x1BF5;
	[smem:$0x3FB8] =	sst s0  }
0x18: {  	s0 =	sld [smem:$0x3F9B];
	_ =	swait.ge [sflag:s4], $0x0  }
0x19: {  	s7 =	sld [smem:$0x3F9C]  }
0x1a: {  	s8 =	sadd.s32 $0xFFFFE003, lr  }
0x1b: {  	s9 =	sadd.s32 $0xFFFFFEF7, lr;
	s5 =	simm.s32 $0xFFFFFFFF;
	p2 =	slt.u32 s8, $0xFFFFF086  }
0x1c: {  	p1 =	slt.u32 s9, $0xF7A;
	s5 =	simm.s32 @!p2 $0x0  }
0x1d: {  	s5 =	simm.s32 @p1 $0x1;
	p0 =	seq.s32 s7, s2  }
0x1e: {  	s7 =	smul.u32 @!p0 $0xF7A, s2;
	p2 =	seq.s32 @!p0 s5, $0x0  }
0x1f: {  	s9 =	smul.u32 $0xF7A, s1;
	s8 =	simm.s32 @!p0 $0x1BF5;
	p2 =	por !p2, p0  }
0x20: {  	[sflag:s8] =	ssyncset.s32 @!p0 $0xFFFFF086;
	s6 =	sadd.s32 @!p0 s3, s7;
	s7 =	simm.s32 @!p0 $0x108  }
0x21: {  	s3 =	sadd.s32 s3, s9;
	s6 =	sadd.s32 @!p0 $0x88, s6;
	s7 =	simm.s32 @p2 $0x1082  }
0x22: {  	[simem:s7], [sflag:s8] =	dma.local @!p0 [hbm:s6], $0xF7A  }
0x23: {  	s9 =	sor.u32 $0xD0000000, s2;
	s6 =	simm.s32 $0x108;
	_ =	swait.ge @!p0 [sflag:s8], $0x0  }
0x24: {  	s3 =	sadd.s32 $0x88, s3;
	s6 =	simm.s32 @!p1 $0x1082;
	[sflag:s4] =	ssyncset.s32 $0xFFFFF086  }
0x25: {  	[simem:s6], [sflag:s4] =	dma.local [hbm:s3], $0xF7A  }
0x26: {  	[smem:$0x3F9C] =	sst s1;
	(tag) =	ssettag s2;
	_ =	strace s9  }
0x27: {  	s1 =	sld [smem:$0x3FAC]  }
0x28: {  	s2 =	sld [smem:$0x3FAD]  }
0x29: {  	s4 =	sld [smem:$0x3FAF]  }
0x2a: {  	p0 =	seq.s32 s5, $0x0;
	s5 =	sld [smem:$0x3FB0]  }
0x2b: {  	s6 =	sld [smem:$0x3FB1]  }
0x2c: {  	s7 =	sld [smem:$0x3FB2]  }
0x2d: {  	s3 =	simm.s32 $0x108;
	s8 =	sld [smem:$0x3FB3]  }
0x2e: {  	s3 =	simm.s32 @!p0 $0x1082;
	s9 =	sld [smem:$0x3FB4]  }
0x2f: {  	lr =	sadd.s32 s0, s3;
	s0 =	sld [smem:$0x3FAB]  }
0x30: {  	s3 =	sld [smem:$0x3FAE]  }
0x31: {  	[smem:$0x3FB7] =	sst s10  }
0x32: {  	s10 =	sld [smem:$0x3FB5];
	_ =	sdelay $0x3  }
0x33: {  	p0 =	seq.s32 s10, $0x1;
	s10 =	sld [smem:$0x3FB7];
	_ =	sdelay $0x3  }
0x34: {  	[smem:$0x3FB7] =	sst s10  }
0x35: {  	s10 =	sld [smem:$0x3FB6];
	_ =	sdelay $0x3  }
0x36: {  	p1 =	seq.s32 s10, $0x1;
	s10 =	sld [smem:$0x3FB7];
	_ =	sdelay $0x3  }
0x37: {  	[smem:$0x3FB7] =	sst s10  }
0x38: {  	s10 =	sld [smem:$0x3FB8]  }
0x39: {  	_ = 	snop;
	(pc) =	sbr.ind lr, $3  }
0x3a: {  	_ = 	snop  }
0x3b: {  	_ = 	snop  }
0x3c: {  	p2 =	seq.s32 s10, $0x1;
	s10 =	sld [smem:$0x3FB7]  }
0x3d: {  	_ =	shalt  }
0x3e: {  	_ =	shalt  }
0x3f: {  	_ =	shalt  }
0x40: {  	_ =	shalt  }
0x41: {  	_ =	shalt  }
0x42: {  	_ =	shalt  }
0x43: {  	_ =	shalt  }
0x44: {  	_ =	shalt  }
0x45: {  	_ =	shalt  }
0x46: {  	_ =	shalt  }
0x47: {  	_ =	shalt  }
0x48: {  	_ =	shalt  }
0x49: {  	_ =	shalt  }
0x4a: {  	_ =	shalt  }
0x4b: {  	_ =	shalt  }
0x4c: {  	_ =	shalt  }
0x4d: {  	_ =	shalt  }
0x4e: {  	_ =	shalt  }
0x4f: {  	_ =	shalt  }
0x50: {  	_ =	shalt  }
0x51: {  	_ =	shalt  }
0x52: {  	_ =	shalt  }
0x53: {  	_ =	shalt  }
0x54: {  	_ =	shalt  }
0x55: {  	_ =	shalt  }
0x56: {  	_ =	shalt  }
0x57: {  	_ =	shalt  }
0x58: {  	_ =	shalt  }
0x59: {  	_ =	shalt  }
0x5a: {  	_ =	shalt  }
0x5b: {  	_ =	shalt  }
0x5c: {  	_ =	shalt  }
0x5d: {  	_ =	shalt  }
0x5e: {  	_ =	shalt  }
0x5f: {  	_ =	shalt  }
0x60: {  	_ =	shalt  }
0x61: {  	_ =	shalt  }
0x62: {  	_ =	shalt  }
0x63: {  	_ =	shalt  }
0x64: {  	_ =	shalt  }
0x65: {  	_ =	shalt  }
0x66: {  	_ =	shalt  }
0x67: {  	_ =	shalt  }
0x68: {  	_ =	shalt  }
0x69: {  	_ =	shalt  }
0x6a: {  	_ =	shalt  }
0x6b: {  	_ =	shalt  }
0x6c: {  	_ =	shalt  }
0x6d: {  	_ =	shalt  }
0x6e: {  	_ =	shalt  }
0x6f: {  	_ =	shalt  }
0x70: {  	_ =	shalt  }
0x71: {  	_ =	shalt  }
0x72: {  	_ =	shalt  }
0x73: {  	_ =	shalt  }
0x74: {  	_ =	shalt  }
0x75: {  	_ =	shalt  }
0x76: {  	_ =	shalt  }
0x77: {  	_ =	shalt  }
0x78: {  	_ =	shalt  }
0x79: {  	_ =	shalt  }
0x7a: {  	_ =	shalt  }
0x7b: {  	_ =	shalt  }
0x7c: {  	_ =	shalt  }
0x7d: {  	_ =	shalt  }
0x7e: {  	_ =	shalt  }
0x7f: {  	_ =	shalt  }
0x80: {  	_ =	shalt  }
0x81: {  	_ =	shalt  }
0x82: {  	_ =	shalt  }
0x83: {  	_ =	shalt  }
0x84: {  	_ =	shalt  }
0x85: {  	_ =	shalt  }
0x86: {  	_ =	shalt  }
0x87: {  	_ =	shalt  }
.Lfunc_end0:
.L_simem_size_0:
called_computation_lowered:
.L_overlay_start_0:
0x88: {  	s2 =	sld [smem:$0x3FD9]  }
0x89: {  	s3 =	sld [smem:$0x3FFE];
	_ =	sdelay $0x1  }
0x8a: {  	s1 =	srdreg.scid  }
0x8b: {  	s0 =	sand.u32 $0x1, s1  }
0x8c: {  	s18 =	sshll.u32 s0, $0xA;
	s2 =	sadd.s32 s3, s2  }
0x8d: {  	s2 =	sadd.s32 s2, s18  }
0x8e: {  	[smem:$0x3FC3] =	sst s2  }
0x8f: {  	_ = 	snop  }
0x90: {  	s2 =	sld [smem:$0x3FC9]  }
0x91: {  	s19 =	sld [smem:$0x3FD0];
	(tm) =	ssettm $0x1  }
0x92: {  	s4 =	sld [smem:$0x3FFB];
	_ =	sdelay $0x3  }
0x93: {  	_ =	strace s4  }
0x94: {  	s4 =	sld [smem:$0x3FFC];
	_ =	sdelay $0x3  }
0x95: {  	_ =	strace s4  }
0x96: {  	s4 =	sld [smem:$0x3FFD];
	_ =	sdelay $0x3  }
0x97: {  	_ =	strace s4  }
0x98: {  	_ =	strace $0x8FFFFFFF  }
0x99: {  	s20 =	sld [smem:$0x3FDB];
	_ =	sdelay $0x1  }
0x9a: {  	s5 =	simm.s32 $_scs_section_size  }
0x9b: {  	s6 =	simm.s32 $_size__tile_overlayer_lowered;
	s7 =	simm.s32 $_tile_overlayer_lowered  }
0x9c: {  	s23 =	simm.s32 $0x1BFF;
	s22 =	sshll.u32 s7, $0x1;
	s4 =	sadd.s32 s5, s20  }
0x9d: {  	s8 =	simm.s32 $0x0;
	s21 =	sshll.u32 s6, $0x1;
	s6 =	sadd.s32 s22, s4  }
0x9e: {  	[timem:s8], [sflag:s23] =	dma.local [hbm:s6], s21  }
0x9f: {  	_ =	swait.ge [sflag:s23], s21  }
0xa0: {  	s5 =	ssub.s32 $0x0, s21;
	[sflag:s23] =	ssyncset.done $0x0  }
0xa1: {  	[sflag:s23] =	ssyncadd.s32 s5;
	_ =	sdelay $0x1  }
0xa2: {  	s24 =	simm.s32 $0x1B8B  }
0xa3: {  	_ =	swait.ge [sflag:s24], $0x1  }
0xa4: {  	[sflag:s24] =	ssyncset.done $0x0  }
0xa5: {  	s25 =	simm.s32 $0x1B8E;
	[sflag:s24] =	ssyncadd.s32 $0xFFFFFFFF  }
0xa6: {  	s26 =	simm.s32 $execute0_lowered;
	[smem:$0x3FD2] =	sst s25  }
0xa7: {  	s5 =	sshll.u32 s26, $0x1;
	_ =	strace $0x80000046;
	[dreg:$0x1] =	wrdreg $0xFFFFFFFF  }
0xa8: {  	s28 =	simm.s32 $_size_execute0_lowered;
	s4 =	sadd.s32 s4, s5;
	[dreg:$0x0] =	wrdreg $0x0  }
0xa9: {  	s5 =	sshll.u32 s28, $0x1;
	[dreg:$0x2] =	wrdreg s4  }
0xaa: {  	[dreg:$0x3] =	wrdreg s5  }
0xab: {  	[dreg:$0x4] =	wrdreg $0xC0  }
0xac: {  	_ =	task [dreg:s8], $0x5FFFF  }
0xad: {  	[dreg:$0x1] =	wrdreg $0xFFFFFFFF  }
0xae: {  	[dreg:$0x0] =	wrdreg $0x60  }
0xaf: {  	[dreg:$0x2] =	wrdreg s2  }
0xb0: {  	[dreg:$0x3] =	wrdreg s19  }
0xb1: {  	[dreg:$0x4] =	wrdreg $0x9  }
0xb2: {  	_ =	task.clear_ibuf [dreg:s8], $0x5FFFF;
	_ =	strace $0x90000046  }
0xb3: {  	s29 =	simm.s32 $0x9;
	_ =	strace $0x80000048  }
0xb4: {  	_ =	swait.ge [sflag:s29], $0x1  }
0xb5: {  	[sflag:s29] =	ssyncadd.s32 $0xFFFFFFFF  }
0xb6: {  	_ =	strace $0x90000048  }
0xb7: {  	_ =	sfence  }
0xb8: {  	s30 =	sld [smem:$0x0];
	_ =	sdelay $0x2  }
0xb9: {  	s31 =	sshll.u32 s1, $0xD;
	s1 =	sshrl.u32 s1, $0x2  }
0xba: {  	s3 =	sand.u32 $0x4000, s31;
	s1 =	sadd.s32 s1, s30  }
0xbb: {  	s0 =	sor.u32 s3, s0;
	s1 =	sshll.u32 s1, $0x11  }
0xbc: {  	s0 =	sor.u32 s1, s0  }
0xbd: {  	s0 =	sadd.s32 $0x8F2B, s0  }
0xbe: {  	[sflag:s0] =	ssyncadd.remote.s32 $0x1  }
0xbf: {  	_ =	sfence.sel $0xFFFF  }
0xc0: {  	[dreg:$0x0] =	wrdreg $0xFFFFFFFF;
	(pc) =	sbr.abs _section_cstart, $3  }
0xc1: {  	[dreg:$0x1] =	wrdreg $0xFFFFFFFF  }
0xc2: {  	_ =	task.clear_ibuf [dreg:s8], $0x2FFFF;
	_ =	strace $0x9FFFFFFF  }
0xc3: {  	(tm) =	ssettm $0x7FFFFFFF  }
tec
execute0_lowered:
.L_overlay_start_1:
0x0: {  	(tag) =	ssettag $0x1  }
0x1: {  	s0 =	srdreg.scid  }
0x2: {  	s4 =	sand.u32 $0x1, s0;
	s0 =	stileid.u32  }
0x3: {  	s5 =	sor.u32 s0, s4  }
0x4: {  	p0 =	sne.s32 s5, $0x0  }
.Ltmp0:
0x5: {  	_ = 	snop;
	(pc) =	sbr.rel @p0 .LBB2_9-.Ltmp0, $4  }
0x6: {  	_ = 	snop  }
0x7: {  	s2 =	rddreg [dreg:$0x0]  }
0x8: {  	s3 =	rddreg [dreg:$0x1]  }
0x9: {  	s1 =	rddreg [dreg:$0x2];
	_ =	strace $0x80000047  }
0xa: {  	s4 =	ssub.s32 $0x2, s4  }
0xb: {  	s6 =	simm.s32 $0x1;
	s7 =	simm.s32 $0x800;
	s5 =	sshrl.u32 s4, $0x1  }
0xc: {  	v0 =	vimm.s32 $0xFFFFFFFF;
	v1 =	vlaneseq.u32;
	s8 =	simm.s32 $0x0;
	s4 =	ssub.s32 s4, s5;
	s5 =	simm.s32 $0x0  }
.LBB2_2:
0xd: {  	[tilespmem:s5], [sflag:$0x1] =	stream.linear.gather [hbm4b:s2+s5], $0x800, $0x38;
	[tilespmem:$0x1800] =	vst v63  }
0xe: {  	_ =	swait.ge [sflag:s6], $0x800  }
0xf: {  	[sflag:s6] =	ssyncset.done $0x0  }
0x10: {  	s9 =	simm.s32 $0x40;
	s10 =	simm.s32 $0x0;
	[sflag:s6] =	ssyncadd.s32 $0xFFFFF800  }
.LBB2_3:
0x11: {  	p0 =	sne.s32 s9, $0x3FC0;
	[tilespmem:s10+$0x800] =	vst v0;
	s10 =	smov.u32 s9;
	s9 =	sadd.s32 $0x40, s9  }
.Ltmp1:
0x12: {  	(pc) =	sbr.rel @p0 .LBB2_3-.Ltmp1, $2  }
0x13: {  	_ =	sdelay $0x2  }
0x14: {  	s10 =	sshra.s32 s10, $0x2  }
0x15: {  	[tilespmem:s10+$0x800] =	vst v0;
	s9 =	simm.s32 $0x0;
	s10 =	simm.s32 $0x0;
	s11 =	simm.s32 $0x0  }
.LBB2_5:
0x16: {  	v2 =	vld [tilespmem:s10+$0x0];
	_ =	sdelay $0x2  }
0x17: {  	p0 =	sne.s32 s11, $0x7F0  }
.Ltmp2:
0x18: {  	_ = 	snop;
	(pc) =	sbr.rel @p0 .LBB2_5-.Ltmp2, $3  }
0x19: {  	_ =	sdelay $0x1  }
0x1a: {  	v3 =	vor.u32 s11, v1  }
0x1b: {  	s10 =	sadd.s32 $0x10, s10;
	s11 =	sadd.s32 $0x10, s11;
	[tilespmem:v2+s7+$0x0] =	vst.idx.msk $0xffff, v3  }
0x1c: {  	v2 =	vimm.s32 $0x0  }
.LBB2_7:
0x1d: {  	s10 =	sshll.u32 s9, $0x4  }
0x1e: {  	v3 =	vld [tilespmem:s10+$0x0];
	_ =	sdelay $0x7  }
0x1f: {  	v4 =	vld.idx.msk [tilespmem:v3+s7+$0x0], $0xffff;
	_ =	sdelay $0x3  }
0x20: {  	v5 =	vor.u32 s10, v1  }
0x21: {  	vm0 =	vgt.s32 v5, v4  }
0x22: {  	v4 =	vmpcnt.ones.xlane vm0  }
0x23: {  	s9 =	sadd.s32 $0x1, s9  }
0x24: {  	p0 =	sne.s32 s9, $0x80;
	v2 =	vadd.s32 v2, v4  }
0x25: {  	v4 =	vxor.u32 @!p0 $0x80000000, v2  }
0x26: {  	(xrf0) =	vmax.scan.msk.u32 @!p0 $0xffff, v4;
	_ =	sdelay $0x5  }
0x27: {  	v4, _, _ =	vpop @!p0 (xrf0)  }
0x28: {  	(v2sf) =	vpush @!p0 v4, $0xF;
	_ =	sdelay $0xe  }
0x29: {  	s10 =	spop @!p0 (v2sf)  }
0x2a: {  	p1 =	sgt.u32 @!p0 s10, $0x80000000  }
0x2b: {  	p1 =	por p0, p1  }
.Ltmp3:
0x2c: {  	_ = 	snop;
	(pc) =	sbr.rel @p1 .LBB2_7-.Ltmp3, $2  }
0x2d: {  	_ =	sdelay $0x2  }
0x2e: {  	s9 =	simm.s32 @!p0 $0x0;
	v2 =	vpsel !p0, $0x0, v2;
	[tilespmem:v3+s7+$0x0] =	vst.idx.msk vm0, v5  }
0x2f: {  	s8 =	sadd.s32 $0x1, s8  }
0x30: {  	p0 =	sne.s32 s8, s4  }
.Ltmp4:
0x31: {  	_ = 	snop;
	(pc) =	sbr.rel @p0 .LBB2_2-.Ltmp4, $4  }
0x32: {  	[hbm4b:s3+s5] =	stream.linear.scatter [tilespmem:s7], [sflag:$0x1], $0x1000, $0x38;
	[tilespmem:$0x1800] =	vst v63  }
0x33: {  	_ =	swait.ge [sflag:s6], $0x1000  }
0x34: {  	[sflag:s6] =	ssyncset.done $0x0  }
0x35: {  	[sflag:s6] =	ssyncadd.s32 $0xFFFFF000  }
.LBB2_9:
0x36: {  	_ =	sfence.sel $0x180000  }
0x37: {  	[bflag:$0x0] =	sbarrier.arrive $0xFFFF  }
0x38: {  	p0 =	sne.s32 s0, $0x0;
	_ =	strace $0x90000047  }
0x39: {  	s0 =	sadd.s32 @!p0 $0x100000, s1;
	[bflag:$0x2] =	sbarrier.arrive $0xFFFF  }
0x3a: {  	[sflag:s0] =	ssyncadd.tile.s32 @!p0 $0x1;
	_ =	shalt  }
.Lfunc_end2:
_tile_overlayer_lowered:
.L_overlay_start_2:
0x3b: {  	(tag) =	ssettag $0x2  }
0x3c: {  	s0 =	rddreg [dreg:$0x0];
	s2 =	stileid.u32  }
0x3d: {  	s1 =	rddreg [dreg:$0x1];
	p0 =	sne.s32 s2, $0x0  }
0x3e: {  	s3 =	rddreg [dreg:$0x2];
	[bflag:$0x3] =	sbarrier.arrive $0xFFFF;
	s2 =	simm.s32 @!p0 $0x1C01  }
0x3f: {  	[timem:s3], [sflag:s2] =	dma.local @!p0 [hbm:s0], s1  }
0x40: {  	s0 =	simm.s32 @!p0 $0x1  }
0x41: {  	_ =	swait.ge @!p0 [sflag:s0], s1  }
0x42: {  	s1 =	ssub.s32 @!p0 $0x0, s1;
	[sflag:s0] =	ssyncset.done @!p0 $0x0  }
0x43: {  	[sflag:s0] =	ssyncadd.s32 @!p0 s1  }
0x44: {  	[bflag:$0x3] =	sbarrier.arrive $0xFFFF  }
0x45: {  	_ =	shalt  }

</sc_bundles>
